<compile_context>
chip_gen: v7x
topology: tpu7x:2x2x1
jax: 0.10.2.dev20260603
libtpu: 0.0.44.dev20260713+nightly
codegen_flags: <defaults>
</compile_context>

<pallas_src>
import functools

import jax
import jax.numpy as jnp
from jax import lax
from jax.experimental import pallas as pl
from jax.experimental.pallas import tpu as pltpu
from jax.experimental.pallas import tpu_sc as plsc

_V = 1_000_000
_D = 64
_B = 4096
_S = 200
_LANES = 16
_TW = 16384

_info = plsc.get_sparse_core_info()
_NC, _NS = _info.num_cores, _info.num_subcores
_NW = _NC * _NS
_BPW = _B // _NW

_CHUNK_STARTS = tuple(range(0, _S - _LANES, _LANES)) + (_S - _LANES,)


def _widen_body(embT_ref, out_ref):
    x = embT_ref[...]
    out_ref[:, 0:_D] = x.T
    out_ref[:, _D:128] = jnp.zeros((_TW, _D), jnp.float32)


def _widen(embT):
    return pl.pallas_call(
        _widen_body,
        grid=(pl.cdiv(_V, _TW),),
        in_specs=[pl.BlockSpec((_D, _TW), lambda i: (0, i))],
        out_specs=pl.BlockSpec((_TW, 128), lambda i: (i, 0)),
        out_shape=jax.ShapeDtypeStruct((_V, 128), jnp.float32),
    )(embT)


def _body(idx_hbm, emb_hbm, out_hbm, tok_v, idxT_v, acc_v, sem):
    wid = lax.axis_index("s") * _NC + lax.axis_index("c")
    pltpu.sync_copy(idx_hbm.at[wid], tok_v)

    iota = lax.iota(jnp.int32, _LANES)
    jvecs = [(iota + c) * _BPW for c in _CHUNK_STARTS]

    def tr_row(b, carry):
        for c, jvec in zip(_CHUNK_STARTS, jvecs):
            x = tok_v[b, pl.ds(c, _LANES)] * 2
            plsc.store_scatter(idxT_v, [jvec + b], x)
        return carry

    lax.fori_loop(0, _BPW, tr_row, 0)

    zeros = jnp.zeros((_LANES,), jnp.float32)

    def zero_row(i, carry):
        for k in range(_D // _LANES):
            acc_v[i, pl.ds(k * _LANES, _LANES)] = zeros
        return carry

    lax.fori_loop(0, _BPW, zero_row, 0)

    def issue(j, carry):
        pltpu.async_copy(
            emb_hbm.at[idxT_v.at[pl.ds(j * _BPW, _BPW)]], acc_v, sem, add=True
        )
        return carry

    lax.fori_loop(0, _S, issue, 0)

    def drain(j, carry):
        pltpu.make_async_copy(
            emb_hbm.at[idxT_v.at[pl.ds(0, _BPW)]], acc_v, sem
        ).wait()
        return carry

    lax.fori_loop(0, _S, drain, 0)

    scale = jnp.full((_LANES,), 1.0 / _S, jnp.float32)

    def scale_row(i, carry):
        for k in range(_D // _LANES):
            sl = pl.ds(k * _LANES, _LANES)
            acc_v[i, sl] = acc_v[i, sl] * scale
        return carry

    lax.fori_loop(0, _BPW, scale_row, 0)

    pltpu.sync_copy(acc_v, out_hbm.at[pl.ds(wid * _BPW, _BPW)])


def kernel(text_tokens, emb):
    embp = _widen(emb.T).reshape(2 * _V, _D)
    idx3 = text_tokens.astype(jnp.int32).reshape(_NW, _BPW, _S)
    mesh = plsc.VectorSubcoreMesh(core_axis_name="c", subcore_axis_name="s")
    sc_call = pl.kernel(
        _body,
        out_type=jax.ShapeDtypeStruct((_B, _D), jnp.float32),
        mesh=mesh,
        scratch_types=[
            pltpu.VMEM((_BPW, _S), jnp.int32),
            pltpu.VMEM((_S * _BPW,), jnp.int32),
            pltpu.VMEM((_BPW, _D), jnp.float32),
            pltpu.SemaphoreType.DMA,
        ],
        compiler_params=pltpu.CompilerParams(
            use_tc_tiling_on_sc=False, needs_layout_passes=False
        ),
    )
    return sc_call(idx3, embp)

# --- scband reference (transcript-rebuilt; emitter-appended) ---
"""Pipeline reference for scband-text-encoder-3109556322652 (READ-ONLY COPY).

The authoritative reference and input builder live on the scoring server;
editing this copy changes nothing except your own understanding.
"""

import jax, jax.numpy as jnp
import numpy as np

VOCAB = 1000000
EMBED_DIM = 64
BATCH = 4096
SEQ = 200

def setup_inputs(seed: int = 0) -> dict:
    key = jax.random.key(seed)
    k_idx, k_emb = jax.random.split(key)
    text_tokens = jax.random.randint(k_idx, (BATCH, SEQ), 0, VOCAB, dtype=jnp.int64 if jax.config.jax_enable_x64 else jnp.int32)
    emb = jax.random.normal(k_emb, (VOCAB, EMBED_DIM), dtype=jnp.float32)
    return {"text_tokens": text_tokens, "emb": emb}

def reference(text_tokens, emb):
    # x = self.embedding(text_tokens)
    x = jnp.take(emb, text_tokens, axis=0)
    # x = x.mean(dim=1)
    x = jnp.mean(x, axis=1)
    return x

if __name__ == "__main__":
    import jax
    _d = setup_inputs()
    print(jax.jit(kernel)(*tuple(_d.values())))

</pallas_src>

<mosaic_0001>
#map = affine_map<(d0, d1) -> (0, 0, 0)>
#map1 = affine_map<(d0, d1) -> (0, 0)>
module attributes {stable_mosaic.version = 14 : i64} {
  func.func @_body(%arg0: i32, %arg1: i32, %arg2: memref<32x128x200xi32, #tpu.memory_space<hbm>>, %arg3: memref<2000000x64xf32, #tpu.memory_space<hbm>>, %arg4: memref<4096x64xf32, #tpu.memory_space<hbm>>, %arg5: memref<128x200xi32, #tpu.memory_space<vmem>>, %arg6: memref<25600xi32, #tpu.memory_space<vmem>>, %arg7: memref<128x64xf32, #tpu.memory_space<vmem>>, %arg8: memref<!tpu.dma_semaphore, #tpu.memory_space<semaphore_mem>>) attributes {dimension_semantics = [#tpu.dimension_semantics<core_parallel>, #tpu.dimension_semantics<subcore_parallel>], iteration_bounds = array<i64: 2, 16>, scalar_prefetch = 0 : i64, scratch_operands = 4 : i64, tpu.core_type = #tpu.core_type<sc_vector_subcore>, window_params = [{transform_indices = #map}, {transform_indices = #map1}, {transform_indices = #map1}]} {
    %mul3A = arith.constant 2 : i32
    %mul3A_0 = arith.muli %arg1, %mul3A : i32
    %add3A = arith.addi %mul3A_0, %arg0 : i32
    "tpu.region"() ({
      %run_scoped3A = tpu.sem_alloc : memref<!tpu.dma_semaphore, #tpu.memory_space<semaphore_mem>>
      %dma_start3A = arith.constant 0 : i32
      %dma_start3A_113 = arith.constant 0 : i32
      %dma_start3A_114 = tpu.memref_slice %arg2[%add3A, %dma_start3A, %dma_start3A_113] : memref<32x128x200xi32, #tpu.memory_space<hbm>> -> memref<1x128x200xi32, #tpu.memory_space<hbm>>
      %dma_start3A_115 = tpu.memref_squeeze %dma_start3A_114 : memref<1x128x200xi32, #tpu.memory_space<hbm>> -> memref<128x200xi32, #tpu.memory_space<hbm>>
      %dma_start3A_116 = arith.constant 0 : i32
      %dma_start3A_117 = arith.constant 0 : i32
      %dma_start3A_118 = tpu.memref_slice %arg2[%add3A, %dma_start3A_116, %dma_start3A_117] : memref<32x128x200xi32, #tpu.memory_space<hbm>> -> memref<1x128x200xi32, #tpu.memory_space<hbm>>
      %dma_start3A_119 = tpu.memref_squeeze %dma_start3A_118 : memref<1x128x200xi32, #tpu.memory_space<hbm>> -> memref<128x200xi32, #tpu.memory_space<hbm>>
      tpu.enqueue_dma source(%dma_start3A_119 : memref<128x200xi32, #tpu.memory_space<hbm>>) target(%arg5 : memref<128x200xi32, #tpu.memory_space<vmem>>) target_semaphore(%run_scoped3A : memref<!tpu.dma_semaphore, #tpu.memory_space<semaphore_mem>>)
      %dma_wait3A = arith.constant 0 : i32
      %dma_wait3A_120 = arith.constant 0 : i32
      %dma_wait3A_121 = tpu.memref_slice %arg2[%add3A, %dma_wait3A, %dma_wait3A_120] : memref<32x128x200xi32, #tpu.memory_space<hbm>> -> memref<1x128x200xi32, #tpu.memory_space<hbm>>
      %dma_wait3A_122 = tpu.memref_squeeze %dma_wait3A_121 : memref<1x128x200xi32, #tpu.memory_space<hbm>> -> memref<128x200xi32, #tpu.memory_space<hbm>>
      %dma_wait3A_123 = arith.constant 0 : i32
      %dma_wait3A_124 = arith.constant 0 : i32
      %dma_wait3A_125 = tpu.memref_slice %arg2[%add3A, %dma_wait3A_123, %dma_wait3A_124] : memref<32x128x200xi32, #tpu.memory_space<hbm>> -> memref<1x128x200xi32, #tpu.memory_space<hbm>>
      %dma_wait3A_126 = tpu.memref_squeeze %dma_wait3A_125 : memref<1x128x200xi32, #tpu.memory_space<hbm>> -> memref<128x200xi32, #tpu.memory_space<hbm>>
      tpu.wait_dma2 semaphore(%run_scoped3A : memref<!tpu.dma_semaphore, #tpu.memory_space<semaphore_mem>>) src(%dma_wait3A_126 : memref<128x200xi32, #tpu.memory_space<hbm>>) dst(%arg5 : memref<128x200xi32, #tpu.memory_space<vmem>>)
      tpu.yield
    }) : () -> ()
    %iota3A = tpu.iota {dimensions = array<i32: 0>} : vector<16xi32>
    %add3A_1 = arith.constant 0 : i32
    %add3A_2 = vector.broadcast %add3A_1 : i32 to vector<16xi32>
    %add3A_3 = arith.addi %iota3A, %add3A_2 : vector<16xi32>
    %mul3A_4 = arith.constant 128 : i32
    %mul3A_5 = vector.broadcast %mul3A_4 : i32 to vector<16xi32>
    %mul3A_6 = arith.muli %add3A_3, %mul3A_5 : vector<16xi32>
    %add3A_7 = arith.constant 16 : i32
    %add3A_8 = vector.broadcast %add3A_7 : i32 to vector<16xi32>
    %add3A_9 = arith.addi %iota3A, %add3A_8 : vector<16xi32>
    %mul3A_10 = arith.constant 128 : i32
    %mul3A_11 = vector.broadcast %mul3A_10 : i32 to vector<16xi32>
    %mul3A_12 = arith.muli %add3A_9, %mul3A_11 : vector<16xi32>
    %add3A_13 = arith.constant 32 : i32
    %add3A_14 = vector.broadcast %add3A_13 : i32 to vector<16xi32>
    %add3A_15 = arith.addi %iota3A, %add3A_14 : vector<16xi32>
    %mul3A_16 = arith.constant 128 : i32
    %mul3A_17 = vector.broadcast %mul3A_16 : i32 to vector<16xi32>
    %mul3A_18 = arith.muli %add3A_15, %mul3A_17 : vector<16xi32>
    %add3A_19 = arith.constant 48 : i32
    %add3A_20 = vector.broadcast %add3A_19 : i32 to vector<16xi32>
    %add3A_21 = arith.addi %iota3A, %add3A_20 : vector<16xi32>
    %mul3A_22 = arith.constant 128 : i32
    %mul3A_23 = vector.broadcast %mul3A_22 : i32 to vector<16xi32>
    %mul3A_24 = arith.muli %add3A_21, %mul3A_23 : vector<16xi32>
    %add3A_25 = arith.constant 64 : i32
    %add3A_26 = vector.broadcast %add3A_25 : i32 to vector<16xi32>
    %add3A_27 = arith.addi %iota3A, %add3A_26 : vector<16xi32>
    %mul3A_28 = arith.constant 128 : i32
    %mul3A_29 = vector.broadcast %mul3A_28 : i32 to vector<16xi32>
    %mul3A_30 = arith.muli %add3A_27, %mul3A_29 : vector<16xi32>
    %add3A_31 = arith.constant 80 : i32
    %add3A_32 = vector.broadcast %add3A_31 : i32 to vector<16xi32>
    %add3A_33 = arith.addi %iota3A, %add3A_32 : vector<16xi32>
    %mul3A_34 = arith.constant 128 : i32
    %mul3A_35 = vector.broadcast %mul3A_34 : i32 to vector<16xi32>
    %mul3A_36 = arith.muli %add3A_33, %mul3A_35 : vector<16xi32>
    %add3A_37 = arith.constant 96 : i32
    %add3A_38 = vector.broadcast %add3A_37 : i32 to vector<16xi32>
    %add3A_39 = arith.addi %iota3A, %add3A_38 : vector<16xi32>
    %mul3A_40 = arith.constant 128 : i32
    %mul3A_41 = vector.broadcast %mul3A_40 : i32 to vector<16xi32>
    %mul3A_42 = arith.muli %add3A_39, %mul3A_41 : vector<16xi32>
    %add3A_43 = arith.constant 112 : i32
    %add3A_44 = vector.broadcast %add3A_43 : i32 to vector<16xi32>
    %add3A_45 = arith.addi %iota3A, %add3A_44 : vector<16xi32>
    %mul3A_46 = arith.constant 128 : i32
    %mul3A_47 = vector.broadcast %mul3A_46 : i32 to vector<16xi32>
    %mul3A_48 = arith.muli %add3A_45, %mul3A_47 : vector<16xi32>
    %add3A_49 = arith.constant 128 : i32
    %add3A_50 = vector.broadcast %add3A_49 : i32 to vector<16xi32>
    %add3A_51 = arith.addi %iota3A, %add3A_50 : vector<16xi32>
    %mul3A_52 = arith.constant 128 : i32
    %mul3A_53 = vector.broadcast %mul3A_52 : i32 to vector<16xi32>
    %mul3A_54 = arith.muli %add3A_51, %mul3A_53 : vector<16xi32>
    %add3A_55 = arith.constant 144 : i32
    %add3A_56 = vector.broadcast %add3A_55 : i32 to vector<16xi32>
    %add3A_57 = arith.addi %iota3A, %add3A_56 : vector<16xi32>
    %mul3A_58 = arith.constant 128 : i32
    %mul3A_59 = vector.broadcast %mul3A_58 : i32 to vector<16xi32>
    %mul3A_60 = arith.muli %add3A_57, %mul3A_59 : vector<16xi32>
    %add3A_61 = arith.constant 160 : i32
    %add3A_62 = vector.broadcast %add3A_61 : i32 to vector<16xi32>
    %add3A_63 = arith.addi %iota3A, %add3A_62 : vector<16xi32>
    %mul3A_64 = arith.constant 128 : i32
    %mul3A_65 = vector.broadcast %mul3A_64 : i32 to vector<16xi32>
    %mul3A_66 = arith.muli %add3A_63, %mul3A_65 : vector<16xi32>
    %add3A_67 = arith.constant 176 : i32
    %add3A_68 = vector.broadcast %add3A_67 : i32 to vector<16xi32>
    %add3A_69 = arith.addi %iota3A, %add3A_68 : vector<16xi32>
    %mul3A_70 = arith.constant 128 : i32
    %mul3A_71 = vector.broadcast %mul3A_70 : i32 to vector<16xi32>
    %mul3A_72 = arith.muli %add3A_69, %mul3A_71 : vector<16xi32>
    %add3A_73 = arith.constant 184 : i32
    %add3A_74 = vector.broadcast %add3A_73 : i32 to vector<16xi32>
    %add3A_75 = arith.addi %iota3A, %add3A_74 : vector<16xi32>
    %mul3A_76 = arith.constant 128 : i32
    %mul3A_77 = vector.broadcast %mul3A_76 : i32 to vector<16xi32>
    %mul3A_78 = arith.muli %add3A_75, %mul3A_77 : vector<16xi32>
    %scan3A = arith.constant 0 : i32
    %scan3A_79 = arith.constant 0 : i32
    %scan3A_80 = arith.constant 128 : i32
    %scan3A_81 = arith.addi %scan3A_79, %scan3A_80 : i32
    %scan3A_82 = arith.constant 1 : i32
    scf.for %scan3A_113 = %scan3A_79 to %scan3A_81 step %scan3A_82  : i32 {
      %get3A = arith.index_cast %scan3A_113 : i32 to index
      %get3A_114 = arith.constant 0 : index
      %get3A_115 = tpu.vector_load %arg5[%get3A, %get3A_114] {strides = array<i32>} : memref<128x200xi32, #tpu.memory_space<vmem>>, vector<16xi32>,
      %mul3A_116 = arith.constant 2 : i32
      %mul3A_117 = vector.broadcast %mul3A_116 : i32 to vector<16xi32>
      %mul3A_118 = arith.muli %get3A_115, %mul3A_117 : vector<16xi32>
      %add3A_119 = vector.broadcast %scan3A_113 : i32 to vector<16xi32>
      %add3A_120 = arith.addi %mul3A_6, %add3A_119 : vector<16xi32>
      tpu.vector_store_idx %arg6[%add3A_120], %mul3A_118 : memref<25600xi32, #tpu.memory_space<vmem>>[vector<16xi32>], vector<16xi32>,
      %get3A_121 = arith.index_cast %scan3A_113 : i32 to index
      %get3A_122 = arith.constant 16 : index
      %get3A_123 = tpu.vector_load %arg5[%get3A_121, %get3A_122] {strides = array<i32>} : memref<128x200xi32, #tpu.memory_space<vmem>>, vector<16xi32>,
      %mul3A_124 = arith.constant 2 : i32
      %mul3A_125 = vector.broadcast %mul3A_124 : i32 to vector<16xi32>
      %mul3A_126 = arith.muli %get3A_123, %mul3A_125 : vector<16xi32>
      %add3A_127 = vector.broadcast %scan3A_113 : i32 to vector<16xi32>
      %add3A_128 = arith.addi %mul3A_12, %add3A_127 : vector<16xi32>
      tpu.vector_store_idx %arg6[%add3A_128], %mul3A_126 : memref<25600xi32, #tpu.memory_space<vmem>>[vector<16xi32>], vector<16xi32>,
      %get3A_129 = arith.index_cast %scan3A_113 : i32 to index
      %get3A_130 = arith.constant 32 : index
      %get3A_131 = tpu.vector_load %arg5[%get3A_129, %get3A_130] {strides = array<i32>} : memref<128x200xi32, #tpu.memory_space<vmem>>, vector<16xi32>,
      %mul3A_132 = arith.constant 2 : i32
      %mul3A_133 = vector.broadcast %mul3A_132 : i32 to vector<16xi32>
      %mul3A_134 = arith.muli %get3A_131, %mul3A_133 : vector<16xi32>
      %add3A_135 = vector.broadcast %scan3A_113 : i32 to vector<16xi32>
      %add3A_136 = arith.addi %mul3A_18, %add3A_135 : vector<16xi32>
      tpu.vector_store_idx %arg6[%add3A_136], %mul3A_134 : memref<25600xi32, #tpu.memory_space<vmem>>[vector<16xi32>], vector<16xi32>,
      %get3A_137 = arith.index_cast %scan3A_113 : i32 to index
      %get3A_138 = arith.constant 48 : index
      %get3A_139 = tpu.vector_load %arg5[%get3A_137, %get3A_138] {strides = array<i32>} : memref<128x200xi32, #tpu.memory_space<vmem>>, vector<16xi32>,
      %mul3A_140 = arith.constant 2 : i32
      %mul3A_141 = vector.broadcast %mul3A_140 : i32 to vector<16xi32>
      %mul3A_142 = arith.muli %get3A_139, %mul3A_141 : vector<16xi32>
      %add3A_143 = vector.broadcast %scan3A_113 : i32 to vector<16xi32>
      %add3A_144 = arith.addi %mul3A_24, %add3A_143 : vector<16xi32>
      tpu.vector_store_idx %arg6[%add3A_144], %mul3A_142 : memref<25600xi32, #tpu.memory_space<vmem>>[vector<16xi32>], vector<16xi32>,
      %get3A_145 = arith.index_cast %scan3A_113 : i32 to index
      %get3A_146 = arith.constant 64 : index
      %get3A_147 = tpu.vector_load %arg5[%get3A_145, %get3A_146] {strides = array<i32>} : memref<128x200xi32, #tpu.memory_space<vmem>>, vector<16xi32>,
      %mul3A_148 = arith.constant 2 : i32
      %mul3A_149 = vector.broadcast %mul3A_148 : i32 to vector<16xi32>
      %mul3A_150 = arith.muli %get3A_147, %mul3A_149 : vector<16xi32>
      %add3A_151 = vector.broadcast %scan3A_113 : i32 to vector<16xi32>
      %add3A_152 = arith.addi %mul3A_30, %add3A_151 : vector<16xi32>
      tpu.vector_store_idx %arg6[%add3A_152], %mul3A_150 : memref<25600xi32, #tpu.memory_space<vmem>>[vector<16xi32>], vector<16xi32>,
      %get3A_153 = arith.index_cast %scan3A_113 : i32 to index
      %get3A_154 = arith.constant 80 : index
      %get3A_155 = tpu.vector_load %arg5[%get3A_153, %get3A_154] {strides = array<i32>} : memref<128x200xi32, #tpu.memory_space<vmem>>, vector<16xi32>,
      %mul3A_156 = arith.constant 2 : i32
      %mul3A_157 = vector.broadcast %mul3A_156 : i32 to vector<16xi32>
      %mul3A_158 = arith.muli %get3A_155, %mul3A_157 : vector<16xi32>
      %add3A_159 = vector.broadcast %scan3A_113 : i32 to vector<16xi32>
      %add3A_160 = arith.addi %mul3A_36, %add3A_159 : vector<16xi32>
      tpu.vector_store_idx %arg6[%add3A_160], %mul3A_158 : memref<25600xi32, #tpu.memory_space<vmem>>[vector<16xi32>], vector<16xi32>,
      %get3A_161 = arith.index_cast %scan3A_113 : i32 to index
      %get3A_162 = arith.constant 96 : index
      %get3A_163 = tpu.vector_load %arg5[%get3A_161, %get3A_162] {strides = array<i32>} : memref<128x200xi32, #tpu.memory_space<vmem>>, vector<16xi32>,
      %mul3A_164 = arith.constant 2 : i32
      %mul3A_165 = vector.broadcast %mul3A_164 : i32 to vector<16xi32>
      %mul3A_166 = arith.muli %get3A_163, %mul3A_165 : vector<16xi32>
      %add3A_167 = vector.broadcast %scan3A_113 : i32 to vector<16xi32>
      %add3A_168 = arith.addi %mul3A_42, %add3A_167 : vector<16xi32>
      tpu.vector_store_idx %arg6[%add3A_168], %mul3A_166 : memref<25600xi32, #tpu.memory_space<vmem>>[vector<16xi32>], vector<16xi32>,
      %get3A_169 = arith.index_cast %scan3A_113 : i32 to index
      %get3A_170 = arith.constant 112 : index
      %get3A_171 = tpu.vector_load %arg5[%get3A_169, %get3A_170] {strides = array<i32>} : memref<128x200xi32, #tpu.memory_space<vmem>>, vector<16xi32>,
      %mul3A_172 = arith.constant 2 : i32
      %mul3A_173 = vector.broadcast %mul3A_172 : i32 to vector<16xi32>
      %mul3A_174 = arith.muli %get3A_171, %mul3A_173 : vector<16xi32>
      %add3A_175 = vector.broadcast %scan3A_113 : i32 to vector<16xi32>
      %add3A_176 = arith.addi %mul3A_48, %add3A_175 : vector<16xi32>
      tpu.vector_store_idx %arg6[%add3A_176], %mul3A_174 : memref<25600xi32, #tpu.memory_space<vmem>>[vector<16xi32>], vector<16xi32>,
      %get3A_177 = arith.index_cast %scan3A_113 : i32 to index
      %get3A_178 = arith.constant 128 : index
      %get3A_179 = tpu.vector_load %arg5[%get3A_177, %get3A_178] {strides = array<i32>} : memref<128x200xi32, #tpu.memory_space<vmem>>, vector<16xi32>,
      %mul3A_180 = arith.constant 2 : i32
      %mul3A_181 = vector.broadcast %mul3A_180 : i32 to vector<16xi32>
      %mul3A_182 = arith.muli %get3A_179, %mul3A_181 : vector<16xi32>
      %add3A_183 = vector.broadcast %scan3A_113 : i32 to vector<16xi32>
      %add3A_184 = arith.addi %mul3A_54, %add3A_183 : vector<16xi32>
      tpu.vector_store_idx %arg6[%add3A_184], %mul3A_182 : memref<25600xi32, #tpu.memory_space<vmem>>[vector<16xi32>], vector<16xi32>,
      %get3A_185 = arith.index_cast %scan3A_113 : i32 to index
      %get3A_186 = arith.constant 144 : index
      %get3A_187 = tpu.vector_load %arg5[%get3A_185, %get3A_186] {strides = array<i32>} : memref<128x200xi32, #tpu.memory_space<vmem>>, vector<16xi32>,
      %mul3A_188 = arith.constant 2 : i32
      %mul3A_189 = vector.broadcast %mul3A_188 : i32 to vector<16xi32>
      %mul3A_190 = arith.muli %get3A_187, %mul3A_189 : vector<16xi32>
      %add3A_191 = vector.broadcast %scan3A_113 : i32 to vector<16xi32>
      %add3A_192 = arith.addi %mul3A_60, %add3A_191 : vector<16xi32>
      tpu.vector_store_idx %arg6[%add3A_192], %mul3A_190 : memref<25600xi32, #tpu.memory_space<vmem>>[vector<16xi32>], vector<16xi32>,
      %get3A_193 = arith.index_cast %scan3A_113 : i32 to index
      %get3A_194 = arith.constant 160 : index
      %get3A_195 = tpu.vector_load %arg5[%get3A_193, %get3A_194] {strides = array<i32>} : memref<128x200xi32, #tpu.memory_space<vmem>>, vector<16xi32>,
      %mul3A_196 = arith.constant 2 : i32
      %mul3A_197 = vector.broadcast %mul3A_196 : i32 to vector<16xi32>
      %mul3A_198 = arith.muli %get3A_195, %mul3A_197 : vector<16xi32>
      %add3A_199 = vector.broadcast %scan3A_113 : i32 to vector<16xi32>
      %add3A_200 = arith.addi %mul3A_66, %add3A_199 : vector<16xi32>
      tpu.vector_store_idx %arg6[%add3A_200], %mul3A_198 : memref<25600xi32, #tpu.memory_space<vmem>>[vector<16xi32>], vector<16xi32>,
      %get3A_201 = arith.index_cast %scan3A_113 : i32 to index
      %get3A_202 = arith.constant 176 : index
      %get3A_203 = tpu.vector_load %arg5[%get3A_201, %get3A_202] {strides = array<i32>} : memref<128x200xi32, #tpu.memory_space<vmem>>, vector<16xi32>,
      %mul3A_204 = arith.constant 2 : i32
      %mul3A_205 = vector.broadcast %mul3A_204 : i32 to vector<16xi32>
      %mul3A_206 = arith.muli %get3A_203, %mul3A_205 : vector<16xi32>
      %add3A_207 = vector.broadcast %scan3A_113 : i32 to vector<16xi32>
      %add3A_208 = arith.addi %mul3A_72, %add3A_207 : vector<16xi32>
      tpu.vector_store_idx %arg6[%add3A_208], %mul3A_206 : memref<25600xi32, #tpu.memory_space<vmem>>[vector<16xi32>], vector<16xi32>,
      %get3A_209 = arith.index_cast %scan3A_113 : i32 to index
      %get3A_210 = arith.constant 184 : index
      %get3A_211 = tpu.vector_load %arg5[%get3A_209, %get3A_210] {strides = array<i32>} : memref<128x200xi32, #tpu.memory_space<vmem>>, vector<16xi32>,
      %mul3A_212 = arith.constant 2 : i32
      %mul3A_213 = vector.broadcast %mul3A_212 : i32 to vector<16xi32>
      %mul3A_214 = arith.muli %get3A_211, %mul3A_213 : vector<16xi32>
      %add3A_215 = vector.broadcast %scan3A_113 : i32 to vector<16xi32>
      %add3A_216 = arith.addi %mul3A_78, %add3A_215 : vector<16xi32>
      tpu.vector_store_idx %arg6[%add3A_216], %mul3A_214 : memref<25600xi32, #tpu.memory_space<vmem>>[vector<16xi32>], vector<16xi32>,
    }
    %scan3A_83 = arith.constant 128 : i32
    %broadcast_in_dim3A = arith.constant 0.000000e+00 : f32
    %broadcast_in_dim3A_84 = vector.broadcast %broadcast_in_dim3A : f32 to vector<16xf32>
    %scan3A_85 = arith.constant 0 : i32
    %scan3A_86 = arith.constant 0 : i32
    %scan3A_87 = arith.constant 128 : i32
    %scan3A_88 = arith.addi %scan3A_86, %scan3A_87 : i32
    %scan3A_89 = arith.constant 1 : i32
    scf.for %scan3A_113 = %scan3A_86 to %scan3A_88 step %scan3A_89  : i32 {
      %swap3A = arith.index_cast %scan3A_113 : i32 to index
      %swap3A_114 = arith.constant 0 : index
      %swap3A_115 = tpu.vector_load %arg7[%swap3A, %swap3A_114] {strides = array<i32>} : memref<128x64xf32, #tpu.memory_space<vmem>>, vector<16xf32>,
      tpu.vector_store %arg7[%swap3A, %swap3A_114], %broadcast_in_dim3A_84 {strides = array<i32>} : memref<128x64xf32, #tpu.memory_space<vmem>>, vector<16xf32>,
      %swap3A_116 = arith.index_cast %scan3A_113 : i32 to index
      %swap3A_117 = arith.constant 16 : index
      %swap3A_118 = tpu.vector_load %arg7[%swap3A_116, %swap3A_117] {strides = array<i32>} : memref<128x64xf32, #tpu.memory_space<vmem>>, vector<16xf32>,
      tpu.vector_store %arg7[%swap3A_116, %swap3A_117], %broadcast_in_dim3A_84 {strides = array<i32>} : memref<128x64xf32, #tpu.memory_space<vmem>>, vector<16xf32>,
      %swap3A_119 = arith.index_cast %scan3A_113 : i32 to index
      %swap3A_120 = arith.constant 32 : index
      %swap3A_121 = tpu.vector_load %arg7[%swap3A_119, %swap3A_120] {strides = array<i32>} : memref<128x64xf32, #tpu.memory_space<vmem>>, vector<16xf32>,
      tpu.vector_store %arg7[%swap3A_119, %swap3A_120], %broadcast_in_dim3A_84 {strides = array<i32>} : memref<128x64xf32, #tpu.memory_space<vmem>>, vector<16xf32>,
      %swap3A_122 = arith.index_cast %scan3A_113 : i32 to index
      %swap3A_123 = arith.constant 48 : index
      %swap3A_124 = tpu.vector_load %arg7[%swap3A_122, %swap3A_123] {strides = array<i32>} : memref<128x64xf32, #tpu.memory_space<vmem>>, vector<16xf32>,
      tpu.vector_store %arg7[%swap3A_122, %swap3A_123], %broadcast_in_dim3A_84 {strides = array<i32>} : memref<128x64xf32, #tpu.memory_space<vmem>>, vector<16xf32>,
    }
    %scan3A_90 = arith.constant 128 : i32
    %scan3A_91 = arith.constant 0 : i32
    %scan3A_92 = arith.constant 0 : i32
    %scan3A_93 = arith.constant 200 : i32
    %scan3A_94 = arith.addi %scan3A_92, %scan3A_93 : i32
    %scan3A_95 = arith.constant 1 : i32
    scf.for %scan3A_113 = %scan3A_92 to %scan3A_94 step %scan3A_95  : i32 {
      %mul3A_114 = arith.constant 128 : i32
      %mul3A_115 = arith.muli %scan3A_113, %mul3A_114 : i32
      %dma_start3A = tpu.memref_slice %arg6[%mul3A_115] : memref<25600xi32, #tpu.memory_space<vmem>> -> memref<128xi32, #tpu.memory_space<vmem>>
      %dma_start3A_116 = arith.constant 0 : i32
      %dma_start3A_117 = arith.constant 0 : i32
      %dma_start3A_118 = tpu.memref_slice %arg3[%dma_start3A_116, %dma_start3A_117] : memref<2000000x64xf32, #tpu.memory_space<hbm>> -> memref<2000000x64xf32, #tpu.memory_space<hbm>>
      tpu.enqueue_indirect_dma source(%dma_start3A_118 : memref<2000000x64xf32, #tpu.memory_space<hbm>>) target(%arg7 : memref<128x64xf32, #tpu.memory_space<vmem>>) offsets(%dma_start3A : memref<128xi32, #tpu.memory_space<vmem>>) semaphore(%arg8 : memref<!tpu.dma_semaphore, #tpu.memory_space<semaphore_mem>>) {add = true}
    }
    %scan3A_96 = arith.constant 200 : i32
    %scan3A_97 = arith.constant 0 : i32
    %scan3A_98 = arith.constant 0 : i32
    %scan3A_99 = arith.constant 200 : i32
    %scan3A_100 = arith.addi %scan3A_98, %scan3A_99 : i32
    %scan3A_101 = arith.constant 1 : i32
    scf.for %scan3A_113 = %scan3A_98 to %scan3A_100 step %scan3A_101  : i32 {
      %dma_wait3A = arith.constant 0 : i32
      %dma_wait3A_114 = tpu.memref_slice %arg6[%dma_wait3A] : memref<25600xi32, #tpu.memory_space<vmem>> -> memref<128xi32, #tpu.memory_space<vmem>>
      %dma_wait3A_115 = arith.constant 0 : i32
      %dma_wait3A_116 = arith.constant 0 : i32
      %dma_wait3A_117 = tpu.memref_slice %arg3[%dma_wait3A_115, %dma_wait3A_116] : memref<2000000x64xf32, #tpu.memory_space<hbm>> -> memref<2000000x64xf32, #tpu.memory_space<hbm>>
      tpu.wait_indirect_dma semaphore(%arg8 : memref<!tpu.dma_semaphore, #tpu.memory_space<semaphore_mem>>) src(%dma_wait3A_117 : memref<2000000x64xf32, #tpu.memory_space<hbm>>) dst(%arg7 : memref<128x64xf32, #tpu.memory_space<vmem>>)
    }
    %scan3A_102 = arith.constant 200 : i32
    %broadcast_in_dim3A_103 = arith.constant 5.000000e-03 : f32
    %broadcast_in_dim3A_104 = vector.broadcast %broadcast_in_dim3A_103 : f32 to vector<16xf32>
    %scan3A_105 = arith.constant 0 : i32
    %scan3A_106 = arith.constant 0 : i32
    %scan3A_107 = arith.constant 128 : i32
    %scan3A_108 = arith.addi %scan3A_106, %scan3A_107 : i32
    %scan3A_109 = arith.constant 1 : i32
    scf.for %scan3A_113 = %scan3A_106 to %scan3A_108 step %scan3A_109  : i32 {
      %get3A = arith.index_cast %scan3A_113 : i32 to index
      %get3A_114 = arith.constant 0 : index
      %get3A_115 = tpu.vector_load %arg7[%get3A, %get3A_114] {strides = array<i32>} : memref<128x64xf32, #tpu.memory_space<vmem>>, vector<16xf32>,
      %mul3A_116 = arith.mulf %get3A_115, %broadcast_in_dim3A_104 : vector<16xf32>
      %swap3A = arith.index_cast %scan3A_113 : i32 to index
      %swap3A_117 = arith.constant 0 : index
      %swap3A_118 = tpu.vector_load %arg7[%swap3A, %swap3A_117] {strides = array<i32>} : memref<128x64xf32, #tpu.memory_space<vmem>>, vector<16xf32>,
      tpu.vector_store %arg7[%swap3A, %swap3A_117], %mul3A_116 {strides = array<i32>} : memref<128x64xf32, #tpu.memory_space<vmem>>, vector<16xf32>,
      %get3A_119 = arith.index_cast %scan3A_113 : i32 to index
      %get3A_120 = arith.constant 16 : index
      %get3A_121 = tpu.vector_load %arg7[%get3A_119, %get3A_120] {strides = array<i32>} : memref<128x64xf32, #tpu.memory_space<vmem>>, vector<16xf32>,
      %mul3A_122 = arith.mulf %get3A_121, %broadcast_in_dim3A_104 : vector<16xf32>
      %swap3A_123 = arith.index_cast %scan3A_113 : i32 to index
      %swap3A_124 = arith.constant 16 : index
      %swap3A_125 = tpu.vector_load %arg7[%swap3A_123, %swap3A_124] {strides = array<i32>} : memref<128x64xf32, #tpu.memory_space<vmem>>, vector<16xf32>,
      tpu.vector_store %arg7[%swap3A_123, %swap3A_124], %mul3A_122 {strides = array<i32>} : memref<128x64xf32, #tpu.memory_space<vmem>>, vector<16xf32>,
      %get3A_126 = arith.index_cast %scan3A_113 : i32 to index
      %get3A_127 = arith.constant 32 : index
      %get3A_128 = tpu.vector_load %arg7[%get3A_126, %get3A_127] {strides = array<i32>} : memref<128x64xf32, #tpu.memory_space<vmem>>, vector<16xf32>,
      %mul3A_129 = arith.mulf %get3A_128, %broadcast_in_dim3A_104 : vector<16xf32>
      %swap3A_130 = arith.index_cast %scan3A_113 : i32 to index
      %swap3A_131 = arith.constant 32 : index
      %swap3A_132 = tpu.vector_load %arg7[%swap3A_130, %swap3A_131] {strides = array<i32>} : memref<128x64xf32, #tpu.memory_space<vmem>>, vector<16xf32>,
      tpu.vector_store %arg7[%swap3A_130, %swap3A_131], %mul3A_129 {strides = array<i32>} : memref<128x64xf32, #tpu.memory_space<vmem>>, vector<16xf32>,
      %get3A_133 = arith.index_cast %scan3A_113 : i32 to index
      %get3A_134 = arith.constant 48 : index
      %get3A_135 = tpu.vector_load %arg7[%get3A_133, %get3A_134] {strides = array<i32>} : memref<128x64xf32, #tpu.memory_space<vmem>>, vector<16xf32>,
      %mul3A_136 = arith.mulf %get3A_135, %broadcast_in_dim3A_104 : vector<16xf32>
      %swap3A_137 = arith.index_cast %scan3A_113 : i32 to index
      %swap3A_138 = arith.constant 48 : index
      %swap3A_139 = tpu.vector_load %arg7[%swap3A_137, %swap3A_138] {strides = array<i32>} : memref<128x64xf32, #tpu.memory_space<vmem>>, vector<16xf32>,
      tpu.vector_store %arg7[%swap3A_137, %swap3A_138], %mul3A_136 {strides = array<i32>} : memref<128x64xf32, #tpu.memory_space<vmem>>, vector<16xf32>,
    }
    %scan3A_110 = arith.constant 128 : i32
    %mul3A_111 = arith.constant 128 : i32
    %mul3A_112 = arith.muli %add3A, %mul3A_111 : i32
    "tpu.region"() ({
      %run_scoped3A = tpu.sem_alloc : memref<!tpu.dma_semaphore, #tpu.memory_space<semaphore_mem>>
      %dma_start3A = arith.constant 0 : i32
      %dma_start3A_113 = tpu.memref_slice %arg4[%mul3A_112, %dma_start3A] : memref<4096x64xf32, #tpu.memory_space<hbm>> -> memref<128x64xf32, #tpu.memory_space<hbm>>
      %dma_start3A_114 = arith.constant 0 : i32
      %dma_start3A_115 = tpu.memref_slice %arg4[%mul3A_112, %dma_start3A_114] : memref<4096x64xf32, #tpu.memory_space<hbm>> -> memref<128x64xf32, #tpu.memory_space<hbm>>
      tpu.enqueue_dma source(%arg7 : memref<128x64xf32, #tpu.memory_space<vmem>>) target(%dma_start3A_115 : memref<128x64xf32, #tpu.memory_space<hbm>>) target_semaphore(%run_scoped3A : memref<!tpu.dma_semaphore, #tpu.memory_space<semaphore_mem>>)
      %dma_wait3A = arith.constant 0 : i32
      %dma_wait3A_116 = tpu.memref_slice %arg4[%mul3A_112, %dma_wait3A] : memref<4096x64xf32, #tpu.memory_space<hbm>> -> memref<128x64xf32, #tpu.memory_space<hbm>>
      %dma_wait3A_117 = arith.constant 0 : i32
      %dma_wait3A_118 = tpu.memref_slice %arg4[%mul3A_112, %dma_wait3A_117] : memref<4096x64xf32, #tpu.memory_space<hbm>> -> memref<128x64xf32, #tpu.memory_space<hbm>>
      tpu.wait_dma2 semaphore(%run_scoped3A : memref<!tpu.dma_semaphore, #tpu.memory_space<semaphore_mem>>) src(%arg7 : memref<128x64xf32, #tpu.memory_space<vmem>>) dst(%dma_wait3A_118 : memref<128x64xf32, #tpu.memory_space<hbm>>)
      tpu.yield
    }) : () -> ()
    return
  }
}

module attributes {stable_mosaic.version = 14 : i64} {
  func.func @_widen_body(%arg0: i32, %arg1: memref<64x16384xf32, #tpu.memory_space<vmem>>, %arg2: memref<16384x128xf32, #tpu.memory_space<vmem>>) attributes {dimension_semantics = [#tpu.dimension_semantics<arbitrary>], iteration_bounds = array<i64: 62>, scalar_prefetch = 0 : i64, scratch_operands = 0 : i64, tpu.core_type = #tpu.core_type<tc>, window_params = [{transform_indices = @transform_0, window_bounds = array<i64: 64, 16384>}, {transform_indices = @transform_1, window_bounds = array<i64: 16384, 128>}]} {
    %get3A = arith.constant 0 : index
    %get3A_0 = arith.constant 0 : index
    %get3A_1 = vector.load %arg1[%get3A, %get3A_0] : memref<64x16384xf32, #tpu.memory_space<vmem>>, vector<64x16384xf32>
    %transpose3A = tpu.transpose %get3A_1, [1, 0] : vector<64x16384xf32> -> vector<16384x64xf32>
    %swap3A = arith.constant 0 : index
    %swap3A_2 = arith.constant 0 : index
    %swap3A_3 = vector.load %arg2[%swap3A, %swap3A_2] : memref<16384x128xf32, #tpu.memory_space<vmem>>, vector<16384x64xf32>
    tpu.vector_store %arg2[%swap3A, %swap3A_2], %transpose3A {strides = array<i32>} : memref<16384x128xf32, #tpu.memory_space<vmem>>, vector<16384x64xf32>,
    %broadcast_in_dim3A = arith.constant 0.000000e+00 : f32
    %broadcast_in_dim3A_4 = vector.broadcast %broadcast_in_dim3A : f32 to vector<16384x64xf32>
    %swap3A_5 = arith.constant 0 : index
    %swap3A_6 = arith.constant 64 : index
    %swap3A_7 = vector.load %arg2[%swap3A_5, %swap3A_6] : memref<16384x128xf32, #tpu.memory_space<vmem>>, vector<16384x64xf32>
    tpu.vector_store %arg2[%swap3A_5, %swap3A_6], %broadcast_in_dim3A_4 {strides = array<i32>} : memref<16384x128xf32, #tpu.memory_space<vmem>>, vector<16384x64xf32>,
    return
  }
  func.func @transform_0(%arg0: i32) -> (i32, i32) {
    %c0_i32 = arith.constant 0 : i32
    %c0_i32_0 = arith.constant 0 : i32
    return %c0_i32, %arg0 : i32, i32
  }
  func.func @transform_1(%arg0: i32) -> (i32, i32) {
    %c0_i32 = arith.constant 0 : i32
    %c0_i32_0 = arith.constant 0 : i32
    return %arg0, %c0_i32 : i32, i32
  }
}

</mosaic_0001>

<sc_bundles>
// kernel: kernel.4.cloned.1.call-start
scs
__scs_entry_jumppad:
0x0: {  	(pc) =	sbr.rel $0x88, $3  }
0x1: {  	(tag) =	ssettag $0x0;
	lr =	simm.s32 $0x1  }
0x2: {  	[smem:$0x3F9F] =	sst lr;
	_ =	strace $0xD0000000  }
0x3: {  	_ = 	snop  }
0x4: {  	_ = 	snop  }
0x5: {  	_ = 	snop  }
0x6: {  	_ = 	snop  }
0x7: {  	_ = 	snop  }
__scs_overlays_trampoline_lowered:
0x8: {  	[smem:$0x3FAE] =	sst s0  }
0x9: {  	[smem:$0x3FAF] =	sst s1  }
0xa: {  	[smem:$0x3FB0] =	sst s2  }
0xb: {  	[smem:$0x3FB1] =	sst s3  }
0xc: {  	[smem:$0x3FB2] =	sst s4  }
0xd: {  	[smem:$0x3FB3] =	sst s5  }
0xe: {  	[smem:$0x3FB4] =	sst s6  }
0xf: {  	[smem:$0x3FB5] =	sst s7  }
0x10: {  	[smem:$0x3FB6] =	sst s8  }
0x11: {  	[smem:$0x3FB7] =	sst s9;
	s0 =	simm.s32 @!p0 $0x0  }
0x12: {  	s1 =	sld [smem:$0x3F9D];
	s0 =	simm.s32 @p0 $0x1  }
0x13: {  	[smem:$0x3FB8] =	sst s0;
	s0 =	simm.s32 @!p1 $0x0  }
0x14: {  	s2 =	sld [smem:$0x3F9C];
	s0 =	simm.s32 @p1 $0x1  }
0x15: {  	[smem:$0x3FB9] =	sst s0;
	s0 =	simm.s32 @!p2 $0x0  }
0x16: {  	s3 =	sld [smem:$0x3FDB];
	s0 =	simm.s32 @p2 $0x1  }
0x17: {  	s4 =	simm.s32 $0x1BF5;
	[smem:$0x3FBB] =	sst s0  }
0x18: {  	s0 =	sld [smem:$0x3F9E];
	_ =	swait.ge [sflag:s4], $0x0  }
0x19: {  	s7 =	sld [smem:$0x3F9F]  }
0x1a: {  	s8 =	sadd.s32 $0xFFFFE003, lr  }
0x1b: {  	s9 =	sadd.s32 $0xFFFFFEF7, lr;
	s5 =	simm.s32 $0xFFFFFFFF;
	p2 =	slt.u32 s8, $0xFFFFF086  }
0x1c: {  	p1 =	slt.u32 s9, $0xF7A;
	s5 =	simm.s32 @!p2 $0x0  }
0x1d: {  	s5 =	simm.s32 @p1 $0x1;
	p0 =	seq.s32 s7, s2  }
0x1e: {  	s7 =	smul.u32 @!p0 $0xF7A, s2;
	p2 =	seq.s32 @!p0 s5, $0x0  }
0x1f: {  	s9 =	smul.u32 $0xF7A, s1;
	s8 =	simm.s32 @!p0 $0x1BF5;
	p2 =	por !p2, p0  }
0x20: {  	[sflag:s8] =	ssyncset.s32 @!p0 $0xFFFFF086;
	s6 =	sadd.s32 @!p0 s3, s7;
	s7 =	simm.s32 @!p0 $0x108  }
0x21: {  	s3 =	sadd.s32 s3, s9;
	s6 =	sadd.s32 @!p0 $0x88, s6;
	s7 =	simm.s32 @p2 $0x1082  }
0x22: {  	[simem:s7], [sflag:s8] =	dma.local @!p0 [hbm:s6], $0xF7A  }
0x23: {  	s9 =	sor.u32 $0xD0000000, s2;
	s6 =	simm.s32 $0x108;
	_ =	swait.ge @!p0 [sflag:s8], $0x0  }
0x24: {  	s3 =	sadd.s32 $0x88, s3;
	s6 =	simm.s32 @!p1 $0x1082;
	[sflag:s4] =	ssyncset.s32 $0xFFFFF086  }
0x25: {  	[simem:s6], [sflag:s4] =	dma.local [hbm:s3], $0xF7A  }
0x26: {  	[smem:$0x3F9F] =	sst s1;
	(tag) =	ssettag s2;
	_ =	strace s9  }
0x27: {  	s1 =	sld [smem:$0x3FAF]  }
0x28: {  	s2 =	sld [smem:$0x3FB0]  }
0x29: {  	s4 =	sld [smem:$0x3FB2]  }
0x2a: {  	p0 =	seq.s32 s5, $0x0;
	s5 =	sld [smem:$0x3FB3]  }
0x2b: {  	s6 =	sld [smem:$0x3FB4]  }
0x2c: {  	s7 =	sld [smem:$0x3FB5]  }
0x2d: {  	s3 =	simm.s32 $0x108;
	s8 =	sld [smem:$0x3FB6]  }
0x2e: {  	s3 =	simm.s32 @!p0 $0x1082;
	s9 =	sld [smem:$0x3FB7]  }
0x2f: {  	lr =	sadd.s32 s0, s3;
	s0 =	sld [smem:$0x3FAE]  }
0x30: {  	s3 =	sld [smem:$0x3FB1]  }
0x31: {  	[smem:$0x3FBA] =	sst s10  }
0x32: {  	s10 =	sld [smem:$0x3FB8];
	_ =	sdelay $0x3  }
0x33: {  	p0 =	seq.s32 s10, $0x1;
	s10 =	sld [smem:$0x3FBA];
	_ =	sdelay $0x3  }
0x34: {  	[smem:$0x3FBA] =	sst s10  }
0x35: {  	s10 =	sld [smem:$0x3FB9];
	_ =	sdelay $0x3  }
0x36: {  	p1 =	seq.s32 s10, $0x1;
	s10 =	sld [smem:$0x3FBA];
	_ =	sdelay $0x3  }
0x37: {  	[smem:$0x3FBA] =	sst s10  }
0x38: {  	s10 =	sld [smem:$0x3FBB]  }
0x39: {  	_ = 	snop;
	(pc) =	sbr.ind lr, $3  }
0x3a: {  	_ = 	snop  }
0x3b: {  	_ = 	snop  }
0x3c: {  	p2 =	seq.s32 s10, $0x1;
	s10 =	sld [smem:$0x3FBA]  }
0x3d: {  	_ =	shalt  }
0x3e: {  	_ =	shalt  }
0x3f: {  	_ =	shalt  }
0x40: {  	_ =	shalt  }
0x41: {  	_ =	shalt  }
0x42: {  	_ =	shalt  }
0x43: {  	_ =	shalt  }
0x44: {  	_ =	shalt  }
0x45: {  	_ =	shalt  }
0x46: {  	_ =	shalt  }
0x47: {  	_ =	shalt  }
0x48: {  	_ =	shalt  }
0x49: {  	_ =	shalt  }
0x4a: {  	_ =	shalt  }
0x4b: {  	_ =	shalt  }
0x4c: {  	_ =	shalt  }
0x4d: {  	_ =	shalt  }
0x4e: {  	_ =	shalt  }
0x4f: {  	_ =	shalt  }
0x50: {  	_ =	shalt  }
0x51: {  	_ =	shalt  }
0x52: {  	_ =	shalt  }
0x53: {  	_ =	shalt  }
0x54: {  	_ =	shalt  }
0x55: {  	_ =	shalt  }
0x56: {  	_ =	shalt  }
0x57: {  	_ =	shalt  }
0x58: {  	_ =	shalt  }
0x59: {  	_ =	shalt  }
0x5a: {  	_ =	shalt  }
0x5b: {  	_ =	shalt  }
0x5c: {  	_ =	shalt  }
0x5d: {  	_ =	shalt  }
0x5e: {  	_ =	shalt  }
0x5f: {  	_ =	shalt  }
0x60: {  	_ =	shalt  }
0x61: {  	_ =	shalt  }
0x62: {  	_ =	shalt  }
0x63: {  	_ =	shalt  }
0x64: {  	_ =	shalt  }
0x65: {  	_ =	shalt  }
0x66: {  	_ =	shalt  }
0x67: {  	_ =	shalt  }
0x68: {  	_ =	shalt  }
0x69: {  	_ =	shalt  }
0x6a: {  	_ =	shalt  }
0x6b: {  	_ =	shalt  }
0x6c: {  	_ =	shalt  }
0x6d: {  	_ =	shalt  }
0x6e: {  	_ =	shalt  }
0x6f: {  	_ =	shalt  }
0x70: {  	_ =	shalt  }
0x71: {  	_ =	shalt  }
0x72: {  	_ =	shalt  }
0x73: {  	_ =	shalt  }
0x74: {  	_ =	shalt  }
0x75: {  	_ =	shalt  }
0x76: {  	_ =	shalt  }
0x77: {  	_ =	shalt  }
0x78: {  	_ =	shalt  }
0x79: {  	_ =	shalt  }
0x7a: {  	_ =	shalt  }
0x7b: {  	_ =	shalt  }
0x7c: {  	_ =	shalt  }
0x7d: {  	_ =	shalt  }
0x7e: {  	_ =	shalt  }
0x7f: {  	_ =	shalt  }
0x80: {  	_ =	shalt  }
0x81: {  	_ =	shalt  }
0x82: {  	_ =	shalt  }
0x83: {  	_ =	shalt  }
0x84: {  	_ =	shalt  }
0x85: {  	_ =	shalt  }
0x86: {  	_ =	shalt  }
0x87: {  	_ =	shalt  }
.Lfunc_end0:
.L_simem_size_0:
called_computation_lowered:
.L_overlay_start_0:
0x88: {  	s2 =	sld [smem:$0x3FD9]  }
0x89: {  	s3 =	sld [smem:$0x3FFE];
	_ =	sdelay $0x1  }
0x8a: {  	s1 =	srdreg.scid  }
0x8b: {  	s0 =	sand.u32 $0x1, s1  }
0x8c: {  	s17 =	sshll.u32 s0, $0xA;
	s2 =	sadd.s32 s3, s2  }
0x8d: {  	s2 =	sadd.s32 s2, s17  }
0x8e: {  	[smem:$0x3FC6] =	sst s2  }
0x8f: {  	_ = 	snop  }
0x90: {  	s2 =	sld [smem:$0x3FD0];
	(tm) =	ssettm $0x1  }
0x91: {  	s18 =	sld [smem:$0x3FFB];
	_ =	sdelay $0x3  }
0x92: {  	_ =	strace s18  }
0x93: {  	s3 =	sld [smem:$0x3FFC];
	_ =	sdelay $0x3  }
0x94: {  	_ =	strace s3  }
0x95: {  	s3 =	sld [smem:$0x3FFD];
	_ =	sdelay $0x3  }
0x96: {  	_ =	strace s3  }
0x97: {  	_ =	strace $0x8FFFFFFF  }
0x98: {  	s19 =	sld [smem:$0x3FDB];
	_ =	sdelay $0x1  }
0x99: {  	s4 =	simm.s32 $_scs_section_size  }
0x9a: {  	s5 =	simm.s32 $_size__tile_overlayer_lowered;
	s6 =	simm.s32 $_tile_overlayer_lowered  }
0x9b: {  	s22 =	simm.s32 $0x1BFF;
	s21 =	sshll.u32 s6, $0x1;
	s3 =	sadd.s32 s4, s19  }
0x9c: {  	s7 =	simm.s32 $0x0;
	s20 =	sshll.u32 s5, $0x1;
	s5 =	sadd.s32 s21, s3  }
0x9d: {  	[timem:s7], [sflag:s22] =	dma.local [hbm:s5], s20  }
0x9e: {  	_ =	swait.ge [sflag:s22], s20  }
0x9f: {  	s4 =	ssub.s32 $0x0, s20;
	[sflag:s22] =	ssyncset.done $0x0  }
0xa0: {  	[sflag:s22] =	ssyncadd.s32 s4;
	_ =	sdelay $0x1  }
0xa1: {  	s23 =	simm.s32 $0x1B8B  }
0xa2: {  	_ =	swait.ge [sflag:s23], $0x1  }
0xa3: {  	[sflag:s23] =	ssyncset.done $0x0  }
0xa4: {  	s25 =	simm.s32 $0x1B8E;
	s24 =	sld [smem:$0x3FFE];
	[sflag:s23] =	ssyncadd.s32 $0xFFFFFFFF  }
0xa5: {  	s26 =	simm.s32 $execute0_lowered;
	[smem:$0x3FD2] =	sst s25  }
0xa6: {  	s5 =	sshll.u32 s26, $0x1;
	_ =	strace $0x80000046;
	[dreg:$0x1] =	wrdreg $0xFFFFFFFF  }
0xa7: {  	s28 =	simm.s32 $_size_execute0_lowered;
	s3 =	sadd.s32 s3, s5;
	[dreg:$0x0] =	wrdreg $0x0  }
0xa8: {  	s5 =	sshll.u32 s28, $0x1;
	[dreg:$0x2] =	wrdreg s3  }
0xa9: {  	[dreg:$0x3] =	wrdreg s5  }
0xaa: {  	[dreg:$0x4] =	wrdreg $0xC0  }
0xab: {  	_ =	task [dreg:s7], $0x5FFFF  }
0xac: {  	[dreg:$0x1] =	wrdreg $0xFFFFFFFF  }
0xad: {  	[dreg:$0x0] =	wrdreg $0x60  }
0xae: {  	[dreg:$0x2] =	wrdreg s24  }
0xaf: {  	[dreg:$0x3] =	wrdreg s2  }
0xb0: {  	[dreg:$0x4] =	wrdreg $0x9  }
0xb1: {  	_ =	task.clear_ibuf [dreg:s7], $0x5FFFF;
	_ =	strace $0x90000046  }
0xb2: {  	s29 =	simm.s32 $0x9;
	_ =	strace $0x80000048  }
0xb3: {  	_ =	swait.ge [sflag:s29], $0x1  }
0xb4: {  	[sflag:s29] =	ssyncadd.s32 $0xFFFFFFFF  }
0xb5: {  	_ =	strace $0x90000048  }
0xb6: {  	_ =	sfence  }
0xb7: {  	s30 =	sld [smem:$0x0];
	_ =	sdelay $0x2  }
0xb8: {  	s31 =	sshll.u32 s1, $0xD;
	s1 =	sshrl.u32 s1, $0x2  }
0xb9: {  	s3 =	sand.u32 $0x4000, s31;
	s1 =	sadd.s32 s1, s30  }
0xba: {  	s0 =	sor.u32 s3, s0;
	s1 =	sshll.u32 s1, $0x11  }
0xbb: {  	s0 =	sor.u32 s1, s0  }
0xbc: {  	s0 =	sadd.s32 $0x8F2B, s0  }
0xbd: {  	[sflag:s0] =	ssyncadd.remote.s32 $0x1  }
0xbe: {  	_ =	sfence.sel $0xFFFF  }
0xbf: {  	[dreg:$0x0] =	wrdreg $0xFFFFFFFF;
	(pc) =	sbr.abs _section_cstart, $3  }
0xc0: {  	[dreg:$0x1] =	wrdreg $0xFFFFFFFF  }
0xc1: {  	_ =	task.clear_ibuf [dreg:s7], $0x2FFFF;
	_ =	strace $0x9FFFFFFF  }
0xc2: {  	(tm) =	ssettm $0x7FFFFFFF  }
0xc3: {  	_ =	shalt  }
tec
execute0_lowered:
.L_overlay_start_1:
0x0: {  	(tag) =	ssettag $0x1  }
0x1: {  	s1 =	srdreg.scid  }
0x2: {  	s0 =	stileid.u32;
	s3 =	rddreg [dreg:$0x0]  }
0x3: {  	s5 =	rddreg [dreg:$0x1];
	s2 =	simm.s32 $0x0;
	s9 =	simm.s32 $0x80  }
0x4: {  	v0 =	vlaneseq.u32;
	s10 =	simm.s32 $0xC800;
	s11 =	simm.s32 $0x1;
	s12 =	simm.s32 $0x0  }
0x5: {  	s4 =	sand.u32 $0x1, s1;
	s31 =	sshll.u32 s0, $0x1;
	s1 =	rddreg [dreg:$0x2];
	v0 =	vmul.u32 $0x80, v0  }
0x6: {  	v13 =	vimm.f32 $0.0e+00;
	[smem:$0x7FF] =	sst s2;
	s6 =	sor.u32 s4, s31;
	s4 =	ssub.s32 $0x2, s4  }
0x7: {  	s7 =	smul.u32 $0xC80, s6;
	s8 =	sshrl.u32 s4, $0x1;
	v1 =	vor.u32 $0x800, v0;
	s6 =	sshll.u32 s6, $0xA;
	v2 =	vor.u32 $0x1000, v0;
	v3 =	vor.u32 $0x1800, v0  }
0x8: {  	_ =	strace $0x80000047;
	v4 =	vor.u32 $0x2000, v0;
	v5 =	vor.u32 $0x2800, v0;
	v6 =	vor.u32 $0x3000, v0;
	s8 =	ssub.s32 s4, s8;
	s5 =	sadd.s32 s5, s6  }
0x9: {  	v7 =	vor.u32 $0x3800, v0;
	v8 =	vor.u32 $0x4000, v0;
	v9 =	vor.u32 $0x4800, v0;
	s7 =	sadd.s32 s7, s3;
	s3 =	sadd.s32 $0x19400, s3;
	s6 =	smax.u32 s8, $0x1  }
0xa: {  	v10 =	vor.u32 $0x5000, v0;
	v11 =	vor.u32 $0x5800, v0;
	v12 =	vadd.s32 $0x5C00, v0;
	s8 =	simm.s32 $0x6400;
	s4 =	sadd.s32 $0x400, s7;
	s7 =	simm.s32 $0x2  }
.LBB2_1:
0xb: {  	[tilespmem:s2], [sflag:$0x2] =	stream.linear.gather [hbm4b:s4+s2], $0x6400, $0x38;
	[tilespmem:$0xE800] =	vst v63  }
0xc: {  	_ =	swait.ge [sflag:s7], $0x6400  }
0xd: {  	[sflag:s7] =	ssyncset.done $0x0  }
0xe: {  	s13 =	simm.s32 $0x60;
	[sflag:s7] =	ssyncadd.s32 $0xFFFF9C00  }
0xf: {  	v14 =	vld [tilespmem:s13+$0xFFFFFFA0]  }
0x10: {  	v15 =	vor.u32 s2, v0;
	_ =	sdelay $0x3  }
0x11: {  	v14 =	vshll.u32 v14, $0x1  }
0x12: {  	[tilespmem:v15+s8+$0x0] =	vst.idx.msk $0xffff, v14  }
0x13: {  	v14 =	vld [tilespmem:s13+$0xFFFFFFB0]  }
0x14: {  	v15 =	vor.u32 s2, v1;
	_ =	sdelay $0x3  }
0x15: {  	v14 =	vshll.u32 v14, $0x1  }
0x16: {  	[tilespmem:v15+s8+$0x0] =	vst.idx.msk $0xffff, v14  }
0x17: {  	v14 =	vld [tilespmem:s13+$0xFFFFFFC0]  }
0x18: {  	v15 =	vor.u32 s2, v2;
	_ =	sdelay $0x3  }
0x19: {  	v14 =	vshll.u32 v14, $0x1  }
0x1a: {  	[tilespmem:v15+s8+$0x0] =	vst.idx.msk $0xffff, v14  }
0x1b: {  	v14 =	vld [tilespmem:s13+$0xFFFFFFD0]  }
0x1c: {  	v15 =	vor.u32 s2, v3;
	_ =	sdelay $0x3  }
0x1d: {  	v14 =	vshll.u32 v14, $0x1  }
0x1e: {  	[tilespmem:v15+s8+$0x0] =	vst.idx.msk $0xffff, v14  }
0x1f: {  	v14 =	vld [tilespmem:s13+$0xFFFFFFE0]  }
0x20: {  	v15 =	vor.u32 s2, v4;
	_ =	sdelay $0x3  }
0x21: {  	v14 =	vshll.u32 v14, $0x1  }
0x22: {  	[tilespmem:v15+s8+$0x0] =	vst.idx.msk $0xffff, v14  }
0x23: {  	v14 =	vld [tilespmem:s13+$0xFFFFFFF0]  }
0x24: {  	v15 =	vor.u32 s2, v5;
	_ =	sdelay $0x3  }
0x25: {  	v14 =	vshll.u32 v14, $0x1  }
0x26: {  	[tilespmem:v15+s8+$0x0] =	vst.idx.msk $0xffff, v14  }
0x27: {  	v14 =	vld [tilespmem:s13+$0x0]  }
0x28: {  	v15 =	vor.u32 s2, v6;
	_ =	sdelay $0x3  }
0x29: {  	v14 =	vshll.u32 v14, $0x1  }
0x2a: {  	[tilespmem:v15+s8+$0x0] =	vst.idx.msk $0xffff, v14  }
0x2b: {  	v14 =	vld [tilespmem:s13+$0x10]  }
0x2c: {  	v15 =	vor.u32 s2, v7;
	_ =	sdelay $0x3  }
0x2d: {  	v14 =	vshll.u32 v14, $0x1  }
0x2e: {  	[tilespmem:v15+s8+$0x0] =	vst.idx.msk $0xffff, v14  }
0x2f: {  	v14 =	vld [tilespmem:s13+$0x20]  }
0x30: {  	v15 =	vor.u32 s2, v8;
	_ =	sdelay $0x3  }
0x31: {  	v14 =	vshll.u32 v14, $0x1  }
0x32: {  	[tilespmem:v15+s8+$0x0] =	vst.idx.msk $0xffff, v14  }
0x33: {  	v14 =	vld [tilespmem:s13+$0x30]  }
0x34: {  	v15 =	vor.u32 s2, v9;
	_ =	sdelay $0x3  }
0x35: {  	v14 =	vshll.u32 v14, $0x1  }
0x36: {  	[tilespmem:v15+s8+$0x0] =	vst.idx.msk $0xffff, v14  }
0x37: {  	v14 =	vld [tilespmem:s13+$0x40]  }
0x38: {  	v15 =	vor.u32 s2, v10;
	_ =	sdelay $0x3  }
0x39: {  	v14 =	vshll.u32 v14, $0x1  }
0x3a: {  	[tilespmem:v15+s8+$0x0] =	vst.idx.msk $0xffff, v14  }
0x3b: {  	v14 =	vld [tilespmem:s13+$0x50]  }
0x3c: {  	v15 =	vor.u32 s2, v11;
	_ =	sdelay $0x3  }
0x3d: {  	v14 =	vshll.u32 v14, $0x1  }
0x3e: {  	[tilespmem:v15+s8+$0x0] =	vst.idx.msk $0xffff, v14  }
0x3f: {  	v15 =	vld [tilespmem:s13+$0x58];
	_ =	sdelay $0x1  }
0x40: {  	v14 =	vor.u32 s2, v12;
	_ =	sdelay $0x2  }
0x41: {  	s14 =	simm.s32 $0x1;
	v15 =	vshll.u32 v15, $0x1  }
.LBB2_2:
0x42: {  	p0 =	sne.s32 s14, $0x7F  }
0x43: {  	[tilespmem:v14+s8+$0x0] =	vst.idx.msk $0xffff, v15;
	s13 =	sadd.s32 $0xC8, s13;
	s15 =	smov.u32 s14;
	s14 =	sadd.s32 $0x1, s14  }
0x44: {  	v14 =	vld [tilespmem:s13+$0xFFFFFFA0]  }
0x45: {  	v15 =	vor.u32 s15, v0;
	_ =	sdelay $0x3  }
0x46: {  	v14 =	vshll.u32 v14, $0x1  }
0x47: {  	[tilespmem:v15+s8+$0x0] =	vst.idx.msk $0xffff, v14  }
0x48: {  	v14 =	vld [tilespmem:s13+$0xFFFFFFB0]  }
0x49: {  	v15 =	vor.u32 s15, v1;
	_ =	sdelay $0x3  }
0x4a: {  	v14 =	vshll.u32 v14, $0x1  }
0x4b: {  	[tilespmem:v15+s8+$0x0] =	vst.idx.msk $0xffff, v14  }
0x4c: {  	v14 =	vld [tilespmem:s13+$0xFFFFFFC0]  }
0x4d: {  	v15 =	vor.u32 s15, v2;
	_ =	sdelay $0x3  }
0x4e: {  	v14 =	vshll.u32 v14, $0x1  }
0x4f: {  	[tilespmem:v15+s8+$0x0] =	vst.idx.msk $0xffff, v14  }
0x50: {  	v14 =	vld [tilespmem:s13+$0xFFFFFFD0]  }
0x51: {  	v15 =	vor.u32 s15, v3;
	_ =	sdelay $0x3  }
0x52: {  	v14 =	vshll.u32 v14, $0x1  }
0x53: {  	[tilespmem:v15+s8+$0x0] =	vst.idx.msk $0xffff, v14  }
0x54: {  	v14 =	vld [tilespmem:s13+$0xFFFFFFE0]  }
0x55: {  	v15 =	vor.u32 s15, v4;
	_ =	sdelay $0x3  }
0x56: {  	v14 =	vshll.u32 v14, $0x1  }
0x57: {  	[tilespmem:v15+s8+$0x0] =	vst.idx.msk $0xffff, v14  }
0x58: {  	v14 =	vld [tilespmem:s13+$0xFFFFFFF0]  }
0x59: {  	v15 =	vor.u32 s15, v5;
	_ =	sdelay $0x3  }
0x5a: {  	v14 =	vshll.u32 v14, $0x1  }
0x5b: {  	[tilespmem:v15+s8+$0x0] =	vst.idx.msk $0xffff, v14  }
0x5c: {  	v14 =	vld [tilespmem:s13+$0x0]  }
0x5d: {  	v15 =	vor.u32 s15, v6;
	_ =	sdelay $0x3  }
0x5e: {  	v14 =	vshll.u32 v14, $0x1  }
0x5f: {  	[tilespmem:v15+s8+$0x0] =	vst.idx.msk $0xffff, v14  }
0x60: {  	v14 =	vld [tilespmem:s13+$0x10]  }
0x61: {  	v15 =	vor.u32 s15, v7;
	_ =	sdelay $0x3  }
0x62: {  	v14 =	vshll.u32 v14, $0x1  }
0x63: {  	[tilespmem:v15+s8+$0x0] =	vst.idx.msk $0xffff, v14  }
0x64: {  	v14 =	vld [tilespmem:s13+$0x20]  }
0x65: {  	v15 =	vor.u32 s15, v8;
	_ =	sdelay $0x3  }
0x66: {  	v14 =	vshll.u32 v14, $0x1  }
0x67: {  	[tilespmem:v15+s8+$0x0] =	vst.idx.msk $0xffff, v14  }
0x68: {  	v14 =	vld [tilespmem:s13+$0x30]  }
0x69: {  	v15 =	vor.u32 s15, v9;
	_ =	sdelay $0x3  }
0x6a: {  	v14 =	vshll.u32 v14, $0x1  }
0x6b: {  	[tilespmem:v15+s8+$0x0] =	vst.idx.msk $0xffff, v14  }
0x6c: {  	v14 =	vld [tilespmem:s13+$0x40]  }
0x6d: {  	v15 =	vor.u32 s15, v10;
	_ =	sdelay $0x3  }
0x6e: {  	v14 =	vshll.u32 v14, $0x1  }
0x6f: {  	[tilespmem:v15+s8+$0x0] =	vst.idx.msk $0xffff, v14  }
0x70: {  	v14 =	vld [tilespmem:s13+$0x50]  }
0x71: {  	v15 =	vor.u32 s15, v11;
	_ =	sdelay $0x3  }
0x72: {  	v14 =	vshll.u32 v14, $0x1  }
0x73: {  	[tilespmem:v15+s8+$0x0] =	vst.idx.msk $0xffff, v14  }
0x74: {  	v15 =	vld [tilespmem:s13+$0x58]  }
.Ltmp0:
0x75: {  	v14 =	vor.u32 s15, v12;
	(pc) =	sbr.rel @p0 .LBB2_2-.Ltmp0, $2  }
0x76: {  	_ =	sdelay $0x2  }
0x77: {  	s15 =	simm.s32 $0x0;
	v15 =	vshll.u32 v15, $0x1  }
0x78: {  	_ =	sdelay $0x3  }
0x79: {  	[tilespmem:v14+s8+$0x0] =	vst.idx.msk $0xffff, v15;
	s14 =	simm.s32 $0x100;
	s13 =	simm.s32 $0x0  }
.LBB2_4:
0x7a: {  	p0 =	sne.s32 s14, $0x7F00;
	[tilespmem:s13+$0xC830] =	vst v13;
	s16 =	smov.u32 s14;
	s14 =	sadd.s32 $0x100, s14  }
.Ltmp1:
0x7b: {  	[tilespmem:s13+$0xC820] =	vst v13;
	(pc) =	sbr.rel @p0 .LBB2_4-.Ltmp1, $3  }
0x7c: {  	[tilespmem:s13+$0xC800] =	vst v13  }
0x7d: {  	[tilespmem:s13+$0xC810] =	vst v13;
	_ =	sdelay $0x1  }
0x7e: {  	s13 =	sshra.s32 s16, $0x2  }
0x7f: {  	[tilespmem:s13+$0xC830] =	vst v13  }
0x80: {  	[tilespmem:s13+$0xC820] =	vst v13  }
0x81: {  	[tilespmem:s13+$0xC800] =	vst v13  }
0x82: {  	[tilespmem:s13+$0xC810] =	vst v13  }
.LBB2_6:
0x83: {  	p0 =	sne.s32 s15, $0x18E00  }
.Ltmp2:
0x84: {  	_ = 	snop;
	(pc) =	sbr.rel @p0 .LBB2_6-.Ltmp2, $4  }
0x85: {  	_ = 	snop  }
0x86: {  	s13 =	sshra.s32 s15, $0x2  }
0x87: {  	s15 =	sadd.s32 $0x200, s15;
	s13 =	sadd.s32 $0x6400, s13  }
0x88: {  	[tilespmem:s10], [sflag:$0x1] =	stream.indirect.gather.add.f32 [hbm:s3], $0x40, s13, s9, $0xb8;
	[tilespmem:$0xE800] =	vst v63  }
0x89: {  	s13 =	simm.s32 $0xC8  }
.LBB2_8:
0x8a: {  	p0 =	sne.s32 s13, $0x1  }
.Ltmp3:
0x8b: {  	_ = 	snop;
	(pc) =	sbr.rel @p0 .LBB2_8-.Ltmp3, $4  }
0x8c: {  	_ = 	snop  }
0x8d: {  	_ =	swait.ge [sflag:s11], $0x2000  }
0x8e: {  	[sflag:s11] =	ssyncset.done $0x0  }
0x8f: {  	s13 =	sadd.s32 $0xFFFFFFFF, s13;
	[sflag:s11] =	ssyncadd.s32 $0xFFFFE000  }
0x90: {  	s13 =	simm.s32 $0x0  }
0x91: {  	v14 =	vld [tilespmem:s13+$0xC800]  }
0x92: {  	v16 =	vld [tilespmem:s13+$0xC810]  }
0x93: {  	s14 =	simm.s32 $0x100;
	v15 =	vld [tilespmem:s13+$0xC820]  }
.LBB2_10:
0x94: {  	p0 =	sne.s32 s14, $0x7F00;
	v17 =	vld [tilespmem:s13+$0xC830];
	_ =	sdelay $0x1  }
0x95: {  	v14 =	vmul.f32 $4.999999890e-03, v14  }
.Ltmp4:
0x96: {  	v16 =	vmul.f32 $4.999999890e-03, v16;
	(pc) =	sbr.rel @p0 .LBB2_10-.Ltmp4, $4  }
0x97: {  	s15 =	sshra.s32 s14, $0x2;
	[tilespmem:s13+$0xC800] =	vst v14;
	v15 =	vmul.f32 $4.999999890e-03, v15  }
0x98: {  	v14 =	vld [tilespmem:s15+$0xC800];
	[tilespmem:s13+$0xC810] =	vst v16;
	v17 =	vmul.f32 $4.999999890e-03, v17  }
0x99: {  	v16 =	vld [tilespmem:s15+$0xC810];
	[tilespmem:s13+$0xC820] =	vst v15  }
0x9a: {  	s14 =	sadd.s32 $0x100, s14;
	v15 =	vld [tilespmem:s15+$0xC820];
	[tilespmem:s13+$0xC830] =	vst v17;
	s13 =	smov.u32 s15  }
0x9b: {  	v17 =	vld [tilespmem:s13+$0xC830];
	_ =	sdelay $0x1  }
0x9c: {  	v14 =	vmul.f32 $4.999999890e-03, v14  }
0x9d: {  	v16 =	vmul.f32 $4.999999890e-03, v16  }
0x9e: {  	[tilespmem:s13+$0xC800] =	vst v14;
	v14 =	vmul.f32 $4.999999890e-03, v15  }
0x9f: {  	s12 =	sadd.s32 $0x1, s12;
	[tilespmem:s13+$0xC810] =	vst v16;
	v15 =	vmul.f32 $4.999999890e-03, v17  }
0xa0: {  	p0 =	sne.s32 s12, s6;
	[tilespmem:s13+$0xC820] =	vst v14  }
.Ltmp5:
0xa1: {  	[tilespmem:s13+$0xC830] =	vst v15;
	(pc) =	sbr.rel @p0 .LBB2_1-.Ltmp5, $4  }
0xa2: {  	[hbm4b:s5+s2] =	stream.linear.scatter [tilespmem:s10], [sflag:$0x2], $0x2000, $0x38;
	[tilespmem:$0xE800] =	vst v63  }
0xa3: {  	_ =	swait.ge [sflag:s7], $0x2000  }
0xa4: {  	[sflag:s7] =	ssyncset.done $0x0  }
0xa5: {  	[sflag:s7] =	ssyncadd.s32 $0xFFFFE000  }
0xa6: {  	_ =	sfence.sel $0x180000  }
0xa7: {  	[bflag:$0x0] =	sbarrier.arrive $0xFFFF  }
0xa8: {  	p0 =	sne.s32 s0, $0x0;
	_ =	strace $0x90000047  }
0xa9: {  	s0 =	sadd.s32 @!p0 $0x100000, s1;
	[bflag:$0x2] =	sbarrier.arrive $0xFFFF  }
0xaa: {  	[sflag:s0] =	ssyncadd.tile.s32 @!p0 $0x1;
	_ =	shalt  }
.Lfunc_end2:
_tile_overlayer_lowered:
.L_overlay_start_2:
0xab: {  	(tag) =	ssettag $0x2  }
0xac: {  	s0 =	rddreg [dreg:$0x0];
	s2 =	stileid.u32  }
0xad: {  	s1 =	rddreg [dreg:$0x1];
	p0 =	sne.s32 s2, $0x0  }
0xae: {  	s3 =	rddreg [dreg:$0x2];
	[bflag:$0x3] =	sbarrier.arrive $0xFFFF;
	s2 =	simm.s32 @!p0 $0x1C02  }
0xaf: {  	[timem:s3], [sflag:s2] =	dma.local @!p0 [hbm:s0], s1  }
0xb0: {  	s0 =	simm.s32 @!p0 $0x2  }
0xb1: {  	_ =	swait.ge @!p0 [sflag:s0], s1  }
0xb2: {  	s1 =	ssub.s32 @!p0 $0x0, s1;
	[sflag:s0] =	ssyncset.done @!p0 $0x0  }
0xb3: {  	[sflag:s0] =	ssyncadd.s32 @!p0 s1  }
0xb4: {  	[bflag:$0x3] =	sbarrier.arrive $0xFFFF  }
0xb5: {  	_ =	shalt  }

</sc_bundles>
